<compile_context>
chip_gen: v7x
topology: tpu7x:2x2x1
jax: 0.10.2.dev20260603
libtpu: 0.0.44.dev20260713+nightly
codegen_flags: <defaults>
</compile_context>

<pallas_src>
import functools

import jax
import jax.numpy as jnp
from jax import lax
from jax.experimental import pallas as pl
from jax.experimental.pallas import tpu as pltpu
from jax.experimental.pallas import tpu_sc as plsc

VOCAB = 100000
BASIC_DIM = 300
MODIF_DIM = 100
FUSED_DIM = BASIC_DIM + MODIF_DIM
BATCH = 16384
HIST = 50
N = BATCH * HIST

_info = plsc.get_sparse_core_info()
NC = _info.num_cores
NS = _info.num_subcores
NW = NC * NS
PER_W = N // NW
CHUNK = 128
NCHUNK = PER_W // CHUNK
NBUF = 2

_mesh = plsc.VectorSubcoreMesh(core_axis_name="c", subcore_axis_name="s")


@functools.partial(
    pl.kernel,
    mesh=_mesh,
    compiler_params=pltpu.CompilerParams(use_tc_tiling_on_sc=False),
    out_type=jax.ShapeDtypeStruct((N, FUSED_DIM), jnp.float32),
    scratch_types=[
        pltpu.VMEM((PER_W,), jnp.int32),
        pltpu.VMEM((NBUF, CHUNK, FUSED_DIM), jnp.float32),
        pltpu.SemaphoreType.DMA,
        pltpu.SemaphoreType.DMA,
        pltpu.SemaphoreType.DMA,
    ],
)
def _gather(table_hbm, idx_hbm, out_hbm, idx_v, rows_v, sem_g, sem_w0, sem_w1):
    wid = lax.axis_index("s") * NC + lax.axis_index("c")
    base = wid * PER_W
    sems_w = (sem_w0, sem_w1)

    pltpu.sync_copy(idx_hbm.at[pl.ds(base, PER_W)], idx_v)

    def chunk_step(c, b):
        @pl.when(c >= NBUF)
        def _():
            pltpu.make_async_copy(
                rows_v.at[b],
                out_hbm.at[pl.ds(base + (c - NBUF) * CHUNK, CHUNK)],
                sems_w[b],
            ).wait()

        pltpu.async_copy(
            table_hbm.at[idx_v.at[pl.ds(c * CHUNK, CHUNK)]],
            rows_v.at[b],
            sem_g,
        ).wait()
        pltpu.async_copy(
            rows_v.at[b],
            out_hbm.at[pl.ds(base + c * CHUNK, CHUNK)],
            sems_w[b],
        )

    def outer(i, carry):
        for b in range(NBUF):
            chunk_step(i * NBUF + b, b)
        return carry

    lax.fori_loop(0, NCHUNK // NBUF, outer, 0, unroll=False)

    for b in range(NBUF):
        c = NCHUNK - NBUF + b
        pltpu.make_async_copy(
            rows_v.at[b],
            out_hbm.at[pl.ds(base + c * CHUNK, CHUNK)],
            sems_w[b],
        ).wait()


def kernel(word_ids, basic, modif):
    fused = jnp.concatenate([basic, modif], axis=1)
    idx = word_ids.reshape(-1)
    out = _gather(fused, idx)
    return out.reshape(BATCH, HIST, FUSED_DIM)

# --- scband reference (transcript-rebuilt; emitter-appended) ---
"""Pipeline reference for scband-vocabulary-encoder-54803782697240 (READ-ONLY COPY).

The authoritative reference and input builder live on the scoring server;
editing this copy changes nothing except your own understanding.
"""

import jax, jax.numpy as jnp
import numpy as np

VOCAB = 100000
BASIC_DIM = 300
MODIF_DIM = 100
BATCH = 16384
HIST = 50

def setup_inputs(seed: int = 0) -> dict:
    key = jax.random.key(seed)
    k1, k2, k3 = jax.random.split(key, 3)
    basic = jax.random.normal(k1, (VOCAB, BASIC_DIM), dtype=jnp.float32)
    modif = jax.random.uniform(k2, (VOCAB, MODIF_DIM), minval=-0.1, maxval=0.1, dtype=jnp.float32)
    word_ids = jax.random.randint(k3, (BATCH, HIST), 0, VOCAB, dtype=jnp.int32)
    return {"word_ids": word_ids, "basic": basic, "modif": modif}

def reference(word_ids, basic, modif):
    # Faithful to VocabularyEncoder.forward for list-of-lists of int ids:
    # for each id: cat(basic[id], modif(id)) -> stacked to [B, L, 400]
    stack_basic = jnp.take(basic, word_ids, axis=0)   # [B, L, 300] gather
    stack_modif = jnp.take(modif, word_ids, axis=0)   # [B, L, 100] embedding lookup
    return jnp.concatenate([stack_basic, stack_modif], axis=-1)  # [B, L, 400]

if __name__ == "__main__":
    import jax
    _d = setup_inputs()
    print(jax.jit(kernel)(*tuple(_d.values())))

</pallas_src>

<mosaic_0001>
#map = affine_map<(d0, d1) -> (0, 0)>
#map1 = affine_map<(d0, d1) -> (0)>
module attributes {stable_mosaic.version = 14 : i64} {
  func.func @_gather(%arg0: i32, %arg1: i32, %arg2: memref<100000x400xf32, #tpu.memory_space<hbm>>, %arg3: memref<819200xi32, #tpu.memory_space<hbm>>, %arg4: memref<819200x400xf32, #tpu.memory_space<hbm>>, %arg5: memref<25600xi32, #tpu.memory_space<vmem>>, %arg6: memref<2x128x400xf32, #tpu.memory_space<vmem>>, %arg7: memref<!tpu.dma_semaphore, #tpu.memory_space<semaphore_mem>>, %arg8: memref<!tpu.dma_semaphore, #tpu.memory_space<semaphore_mem>>, %arg9: memref<!tpu.dma_semaphore, #tpu.memory_space<semaphore_mem>>) attributes {dimension_semantics = [#tpu.dimension_semantics<core_parallel>, #tpu.dimension_semantics<subcore_parallel>], iteration_bounds = array<i64: 2, 16>, scalar_prefetch = 0 : i64, scratch_operands = 5 : i64, tpu.core_type = #tpu.core_type<sc_vector_subcore>, window_params = [{transform_indices = #map}, {transform_indices = #map1}, {transform_indices = #map}]} {
    %mul3A = arith.constant 2 : i32
    %mul3A_0 = arith.muli %arg1, %mul3A : i32
    %add3A = arith.addi %mul3A_0, %arg0 : i32
    %mul3A_1 = arith.constant 25600 : i32
    %mul3A_2 = arith.muli %add3A, %mul3A_1 : i32
    "tpu.region"() ({
      %run_scoped3A = tpu.sem_alloc : memref<!tpu.dma_semaphore, #tpu.memory_space<semaphore_mem>>
      %dma_start3A = tpu.memref_slice %arg3[%mul3A_2] : memref<819200xi32, #tpu.memory_space<hbm>> -> memref<25600xi32, #tpu.memory_space<hbm>>
      %dma_start3A_37 = tpu.memref_slice %arg3[%mul3A_2] : memref<819200xi32, #tpu.memory_space<hbm>> -> memref<25600xi32, #tpu.memory_space<hbm>>
      tpu.enqueue_dma source(%dma_start3A_37 : memref<25600xi32, #tpu.memory_space<hbm>>) target(%arg5 : memref<25600xi32, #tpu.memory_space<vmem>>) target_semaphore(%run_scoped3A : memref<!tpu.dma_semaphore, #tpu.memory_space<semaphore_mem>>)
      %dma_wait3A_38 = tpu.memref_slice %arg3[%mul3A_2] : memref<819200xi32, #tpu.memory_space<hbm>> -> memref<25600xi32, #tpu.memory_space<hbm>>
      %dma_wait3A_39 = tpu.memref_slice %arg3[%mul3A_2] : memref<819200xi32, #tpu.memory_space<hbm>> -> memref<25600xi32, #tpu.memory_space<hbm>>
      tpu.wait_dma2 semaphore(%run_scoped3A : memref<!tpu.dma_semaphore, #tpu.memory_space<semaphore_mem>>) src(%dma_wait3A_39 : memref<25600xi32, #tpu.memory_space<hbm>>) dst(%arg5 : memref<25600xi32, #tpu.memory_space<vmem>>)
      tpu.yield
    }) : () -> ()
    %scan3A = arith.constant 0 : i32
    %scan3A_3 = arith.constant 0 : i32
    %scan3A_4 = arith.constant 100 : i32
    %scan3A_5 = arith.addi %scan3A_3, %scan3A_4 : i32
    %scan3A_6 = arith.constant 1 : i32
    scf.for %scan3A_37 = %scan3A_3 to %scan3A_5 step %scan3A_6  : i32 {
      %mul3A_38 = arith.constant 2 : i32
      %mul3A_39 = arith.muli %scan3A_37, %mul3A_38 : i32
      %add3A_40 = arith.constant 0 : i32
      %add3A_41 = arith.addi %mul3A_39, %add3A_40 : i32
      %ge3A = arith.constant 2 : i32
      %ge3A_42 = arith.cmpi sge, %add3A_41, %ge3A : i32
      %convert_element_type3A = arith.extui %ge3A_42 : i1 to i32
      %cond3A = arith.constant 0 : i32
      %cond3A_43 = arith.cmpi ne, %convert_element_type3A, %cond3A : i32
      scf.if %cond3A_43 {
        %sub3A = arith.constant 2 : i32
        %sub3A_124 = arith.subi %add3A_41, %sub3A : i32
        %mul3A_125 = arith.constant 128 : i32
        %mul3A_126 = arith.muli %sub3A_124, %mul3A_125 : i32
        %add3A_127 = arith.addi %mul3A_2, %mul3A_126 : i32
        %dma_wait3A_128 = arith.constant 0 : i32
        %dma_wait3A_129 = arith.constant 0 : i32
        %dma_wait3A_130 = arith.constant 0 : i32
        %dma_wait3A_131 = tpu.memref_slice %arg6[%dma_wait3A_128, %dma_wait3A_129, %dma_wait3A_130] : memref<2x128x400xf32, #tpu.memory_space<vmem>> -> memref<1x128x400xf32, #tpu.memory_space<vmem>>
        %dma_wait3A_132 = tpu.memref_squeeze %dma_wait3A_131 : memref<1x128x400xf32, #tpu.memory_space<vmem>> -> memref<128x400xf32, #tpu.memory_space<vmem>>
        %dma_wait3A_133 = arith.constant 0 : i32
        %dma_wait3A_134 = tpu.memref_slice %arg4[%add3A_127, %dma_wait3A_133] : memref<819200x400xf32, #tpu.memory_space<hbm>> -> memref<128x400xf32, #tpu.memory_space<hbm>>
        %dma_wait3A_135 = arith.constant 0 : i32
        %dma_wait3A_136 = tpu.memref_slice %arg4[%add3A_127, %dma_wait3A_135] : memref<819200x400xf32, #tpu.memory_space<hbm>> -> memref<128x400xf32, #tpu.memory_space<hbm>>
        %dma_wait3A_137 = arith.constant 0 : i32
        %dma_wait3A_138 = arith.constant 0 : i32
        %dma_wait3A_139 = tpu.memref_slice %arg6[%dma_wait3A_128, %dma_wait3A_137, %dma_wait3A_138] : memref<2x128x400xf32, #tpu.memory_space<vmem>> -> memref<1x128x400xf32, #tpu.memory_space<vmem>>
        %dma_wait3A_140 = tpu.memref_squeeze %dma_wait3A_139 : memref<1x128x400xf32, #tpu.memory_space<vmem>> -> memref<128x400xf32, #tpu.memory_space<vmem>>
        tpu.wait_dma2 semaphore(%arg8 : memref<!tpu.dma_semaphore, #tpu.memory_space<semaphore_mem>>) src(%dma_wait3A_140 : memref<128x400xf32, #tpu.memory_space<vmem>>) dst(%dma_wait3A_136 : memref<128x400xf32, #tpu.memory_space<hbm>>)
      } else {
      }
      %mul3A_44 = arith.constant 128 : i32
      %mul3A_45 = arith.muli %add3A_41, %mul3A_44 : i32
      %dma_start3A = arith.constant 0 : i32
      %dma_start3A_46 = arith.constant 0 : i32
      %dma_start3A_47 = arith.constant 0 : i32
      %dma_start3A_48 = tpu.memref_slice %arg6[%dma_start3A, %dma_start3A_46, %dma_start3A_47] : memref<2x128x400xf32, #tpu.memory_space<vmem>> -> memref<1x128x400xf32, #tpu.memory_space<vmem>>
      %dma_start3A_49 = tpu.memref_squeeze %dma_start3A_48 : memref<1x128x400xf32, #tpu.memory_space<vmem>> -> memref<128x400xf32, #tpu.memory_space<vmem>>
      %dma_start3A_50 = tpu.memref_slice %arg5[%mul3A_45] : memref<25600xi32, #tpu.memory_space<vmem>> -> memref<128xi32, #tpu.memory_space<vmem>>
      %dma_start3A_51 = arith.constant 0 : i32
      %dma_start3A_52 = arith.constant 0 : i32
      %dma_start3A_53 = tpu.memref_slice %arg2[%dma_start3A_51, %dma_start3A_52] : memref<100000x400xf32, #tpu.memory_space<hbm>> -> memref<100000x400xf32, #tpu.memory_space<hbm>>
      tpu.enqueue_indirect_dma source(%dma_start3A_53 : memref<100000x400xf32, #tpu.memory_space<hbm>>) target(%dma_start3A_49 : memref<128x400xf32, #tpu.memory_space<vmem>>) offsets(%dma_start3A_50 : memref<128xi32, #tpu.memory_space<vmem>>) semaphore(%arg7 : memref<!tpu.dma_semaphore, #tpu.memory_space<semaphore_mem>>)
      %dma_wait3A_54 = arith.constant 0 : i32
      %dma_wait3A_55 = arith.constant 0 : i32
      %dma_wait3A_56 = arith.constant 0 : i32
      %dma_wait3A_57 = tpu.memref_slice %arg6[%dma_wait3A_54, %dma_wait3A_55, %dma_wait3A_56] : memref<2x128x400xf32, #tpu.memory_space<vmem>> -> memref<1x128x400xf32, #tpu.memory_space<vmem>>
      %dma_wait3A_58 = tpu.memref_squeeze %dma_wait3A_57 : memref<1x128x400xf32, #tpu.memory_space<vmem>> -> memref<128x400xf32, #tpu.memory_space<vmem>>
      %dma_wait3A_59 = tpu.memref_slice %arg5[%mul3A_45] : memref<25600xi32, #tpu.memory_space<vmem>> -> memref<128xi32, #tpu.memory_space<vmem>>
      %dma_wait3A_60 = arith.constant 0 : i32
      %dma_wait3A_61 = arith.constant 0 : i32
      %dma_wait3A_62 = tpu.memref_slice %arg2[%dma_wait3A_60, %dma_wait3A_61] : memref<100000x400xf32, #tpu.memory_space<hbm>> -> memref<100000x400xf32, #tpu.memory_space<hbm>>
      tpu.wait_indirect_dma semaphore(%arg7 : memref<!tpu.dma_semaphore, #tpu.memory_space<semaphore_mem>>) src(%dma_wait3A_62 : memref<100000x400xf32, #tpu.memory_space<hbm>>) dst(%dma_wait3A_58 : memref<128x400xf32, #tpu.memory_space<vmem>>)
      %mul3A_63 = arith.constant 128 : i32
      %mul3A_64 = arith.muli %add3A_41, %mul3A_63 : i32
      %add3A_65 = arith.addi %mul3A_2, %mul3A_64 : i32
      %dma_start3A_66 = arith.constant 0 : i32
      %dma_start3A_67 = arith.constant 0 : i32
      %dma_start3A_68 = arith.constant 0 : i32
      %dma_start3A_69 = tpu.memref_slice %arg6[%dma_start3A_66, %dma_start3A_67, %dma_start3A_68] : memref<2x128x400xf32, #tpu.memory_space<vmem>> -> memref<1x128x400xf32, #tpu.memory_space<vmem>>
      %dma_start3A_70 = tpu.memref_squeeze %dma_start3A_69 : memref<1x128x400xf32, #tpu.memory_space<vmem>> -> memref<128x400xf32, #tpu.memory_space<vmem>>
      %dma_start3A_71 = arith.constant 0 : i32
      %dma_start3A_72 = tpu.memref_slice %arg4[%add3A_65, %dma_start3A_71] : memref<819200x400xf32, #tpu.memory_space<hbm>> -> memref<128x400xf32, #tpu.memory_space<hbm>>
      %dma_start3A_73 = arith.constant 0 : i32
      %dma_start3A_74 = tpu.memref_slice %arg4[%add3A_65, %dma_start3A_73] : memref<819200x400xf32, #tpu.memory_space<hbm>> -> memref<128x400xf32, #tpu.memory_space<hbm>>
      %dma_start3A_75 = arith.constant 0 : i32
      %dma_start3A_76 = arith.constant 0 : i32
      %dma_start3A_77 = tpu.memref_slice %arg6[%dma_start3A_66, %dma_start3A_75, %dma_start3A_76] : memref<2x128x400xf32, #tpu.memory_space<vmem>> -> memref<1x128x400xf32, #tpu.memory_space<vmem>>
      %dma_start3A_78 = tpu.memref_squeeze %dma_start3A_77 : memref<1x128x400xf32, #tpu.memory_space<vmem>> -> memref<128x400xf32, #tpu.memory_space<vmem>>
      tpu.enqueue_dma source(%dma_start3A_78 : memref<128x400xf32, #tpu.memory_space<vmem>>) target(%dma_start3A_74 : memref<128x400xf32, #tpu.memory_space<hbm>>) target_semaphore(%arg8 : memref<!tpu.dma_semaphore, #tpu.memory_space<semaphore_mem>>)
      %mul3A_79 = arith.constant 2 : i32
      %mul3A_80 = arith.muli %scan3A_37, %mul3A_79 : i32
      %add3A_81 = arith.constant 1 : i32
      %add3A_82 = arith.addi %mul3A_80, %add3A_81 : i32
      %ge3A_83 = arith.constant 2 : i32
      %ge3A_84 = arith.cmpi sge, %add3A_82, %ge3A_83 : i32
      %convert_element_type3A_85 = arith.extui %ge3A_84 : i1 to i32
      %cond3A_86 = arith.constant 0 : i32
      %cond3A_87 = arith.cmpi ne, %convert_element_type3A_85, %cond3A_86 : i32
      scf.if %cond3A_87 {
        %sub3A = arith.constant 2 : i32
        %sub3A_124 = arith.subi %add3A_82, %sub3A : i32
        %mul3A_125 = arith.constant 128 : i32
        %mul3A_126 = arith.muli %sub3A_124, %mul3A_125 : i32
        %add3A_127 = arith.addi %mul3A_2, %mul3A_126 : i32
        %dma_wait3A_128 = arith.constant 1 : i32
        %dma_wait3A_129 = arith.constant 0 : i32
        %dma_wait3A_130 = arith.constant 0 : i32
        %dma_wait3A_131 = tpu.memref_slice %arg6[%dma_wait3A_128, %dma_wait3A_129, %dma_wait3A_130] : memref<2x128x400xf32, #tpu.memory_space<vmem>> -> memref<1x128x400xf32, #tpu.memory_space<vmem>>
        %dma_wait3A_132 = tpu.memref_squeeze %dma_wait3A_131 : memref<1x128x400xf32, #tpu.memory_space<vmem>> -> memref<128x400xf32, #tpu.memory_space<vmem>>
        %dma_wait3A_133 = arith.constant 0 : i32
        %dma_wait3A_134 = tpu.memref_slice %arg4[%add3A_127, %dma_wait3A_133] : memref<819200x400xf32, #tpu.memory_space<hbm>> -> memref<128x400xf32, #tpu.memory_space<hbm>>
        %dma_wait3A_135 = arith.constant 0 : i32
        %dma_wait3A_136 = tpu.memref_slice %arg4[%add3A_127, %dma_wait3A_135] : memref<819200x400xf32, #tpu.memory_space<hbm>> -> memref<128x400xf32, #tpu.memory_space<hbm>>
        %dma_wait3A_137 = arith.constant 0 : i32
        %dma_wait3A_138 = arith.constant 0 : i32
        %dma_wait3A_139 = tpu.memref_slice %arg6[%dma_wait3A_128, %dma_wait3A_137, %dma_wait3A_138] : memref<2x128x400xf32, #tpu.memory_space<vmem>> -> memref<1x128x400xf32, #tpu.memory_space<vmem>>
        %dma_wait3A_140 = tpu.memref_squeeze %dma_wait3A_139 : memref<1x128x400xf32, #tpu.memory_space<vmem>> -> memref<128x400xf32, #tpu.memory_space<vmem>>
        tpu.wait_dma2 semaphore(%arg9 : memref<!tpu.dma_semaphore, #tpu.memory_space<semaphore_mem>>) src(%dma_wait3A_140 : memref<128x400xf32, #tpu.memory_space<vmem>>) dst(%dma_wait3A_136 : memref<128x400xf32, #tpu.memory_space<hbm>>)
      } else {
      }
      %mul3A_88 = arith.constant 128 : i32
      %mul3A_89 = arith.muli %add3A_82, %mul3A_88 : i32
      %dma_start3A_90 = arith.constant 1 : i32
      %dma_start3A_91 = arith.constant 0 : i32
      %dma_start3A_92 = arith.constant 0 : i32
      %dma_start3A_93 = tpu.memref_slice %arg6[%dma_start3A_90, %dma_start3A_91, %dma_start3A_92] : memref<2x128x400xf32, #tpu.memory_space<vmem>> -> memref<1x128x400xf32, #tpu.memory_space<vmem>>
      %dma_start3A_94 = tpu.memref_squeeze %dma_start3A_93 : memref<1x128x400xf32, #tpu.memory_space<vmem>> -> memref<128x400xf32, #tpu.memory_space<vmem>>
      %dma_start3A_95 = tpu.memref_slice %arg5[%mul3A_89] : memref<25600xi32, #tpu.memory_space<vmem>> -> memref<128xi32, #tpu.memory_space<vmem>>
      %dma_start3A_96 = arith.constant 0 : i32
      %dma_start3A_97 = arith.constant 0 : i32
      %dma_start3A_98 = tpu.memref_slice %arg2[%dma_start3A_96, %dma_start3A_97] : memref<100000x400xf32, #tpu.memory_space<hbm>> -> memref<100000x400xf32, #tpu.memory_space<hbm>>
      tpu.enqueue_indirect_dma source(%dma_start3A_98 : memref<100000x400xf32, #tpu.memory_space<hbm>>) target(%dma_start3A_94 : memref<128x400xf32, #tpu.memory_space<vmem>>) offsets(%dma_start3A_95 : memref<128xi32, #tpu.memory_space<vmem>>) semaphore(%arg7 : memref<!tpu.dma_semaphore, #tpu.memory_space<semaphore_mem>>)
      %dma_wait3A_99 = arith.constant 1 : i32
      %dma_wait3A_100 = arith.constant 0 : i32
      %dma_wait3A_101 = arith.constant 0 : i32
      %dma_wait3A_102 = tpu.memref_slice %arg6[%dma_wait3A_99, %dma_wait3A_100, %dma_wait3A_101] : memref<2x128x400xf32, #tpu.memory_space<vmem>> -> memref<1x128x400xf32, #tpu.memory_space<vmem>>
      %dma_wait3A_103 = tpu.memref_squeeze %dma_wait3A_102 : memref<1x128x400xf32, #tpu.memory_space<vmem>> -> memref<128x400xf32, #tpu.memory_space<vmem>>
      %dma_wait3A_104 = tpu.memref_slice %arg5[%mul3A_89] : memref<25600xi32, #tpu.memory_space<vmem>> -> memref<128xi32, #tpu.memory_space<vmem>>
      %dma_wait3A_105 = arith.constant 0 : i32
      %dma_wait3A_106 = arith.constant 0 : i32
      %dma_wait3A_107 = tpu.memref_slice %arg2[%dma_wait3A_105, %dma_wait3A_106] : memref<100000x400xf32, #tpu.memory_space<hbm>> -> memref<100000x400xf32, #tpu.memory_space<hbm>>
      tpu.wait_indirect_dma semaphore(%arg7 : memref<!tpu.dma_semaphore, #tpu.memory_space<semaphore_mem>>) src(%dma_wait3A_107 : memref<100000x400xf32, #tpu.memory_space<hbm>>) dst(%dma_wait3A_103 : memref<128x400xf32, #tpu.memory_space<vmem>>)
      %mul3A_108 = arith.constant 128 : i32
      %mul3A_109 = arith.muli %add3A_82, %mul3A_108 : i32
      %add3A_110 = arith.addi %mul3A_2, %mul3A_109 : i32
      %dma_start3A_111 = arith.constant 1 : i32
      %dma_start3A_112 = arith.constant 0 : i32
      %dma_start3A_113 = arith.constant 0 : i32
      %dma_start3A_114 = tpu.memref_slice %arg6[%dma_start3A_111, %dma_start3A_112, %dma_start3A_113] : memref<2x128x400xf32, #tpu.memory_space<vmem>> -> memref<1x128x400xf32, #tpu.memory_space<vmem>>
      %dma_start3A_115 = tpu.memref_squeeze %dma_start3A_114 : memref<1x128x400xf32, #tpu.memory_space<vmem>> -> memref<128x400xf32, #tpu.memory_space<vmem>>
      %dma_start3A_116 = arith.constant 0 : i32
      %dma_start3A_117 = tpu.memref_slice %arg4[%add3A_110, %dma_start3A_116] : memref<819200x400xf32, #tpu.memory_space<hbm>> -> memref<128x400xf32, #tpu.memory_space<hbm>>
      %dma_start3A_118 = arith.constant 0 : i32
      %dma_start3A_119 = tpu.memref_slice %arg4[%add3A_110, %dma_start3A_118] : memref<819200x400xf32, #tpu.memory_space<hbm>> -> memref<128x400xf32, #tpu.memory_space<hbm>>
      %dma_start3A_120 = arith.constant 0 : i32
      %dma_start3A_121 = arith.constant 0 : i32
      %dma_start3A_122 = tpu.memref_slice %arg6[%dma_start3A_111, %dma_start3A_120, %dma_start3A_121] : memref<2x128x400xf32, #tpu.memory_space<vmem>> -> memref<1x128x400xf32, #tpu.memory_space<vmem>>
      %dma_start3A_123 = tpu.memref_squeeze %dma_start3A_122 : memref<1x128x400xf32, #tpu.memory_space<vmem>> -> memref<128x400xf32, #tpu.memory_space<vmem>>
      tpu.enqueue_dma source(%dma_start3A_123 : memref<128x400xf32, #tpu.memory_space<vmem>>) target(%dma_start3A_119 : memref<128x400xf32, #tpu.memory_space<hbm>>) target_semaphore(%arg9 : memref<!tpu.dma_semaphore, #tpu.memory_space<semaphore_mem>>)
    }
    %scan3A_7 = arith.constant 100 : i32
    %add3A_8 = arith.constant 25344 : i32
    %add3A_9 = arith.addi %mul3A_2, %add3A_8 : i32
    %dma_wait3A = arith.constant 0 : i32
    %dma_wait3A_10 = arith.constant 0 : i32
    %dma_wait3A_11 = arith.constant 0 : i32
    %dma_wait3A_12 = tpu.memref_slice %arg6[%dma_wait3A, %dma_wait3A_10, %dma_wait3A_11] : memref<2x128x400xf32, #tpu.memory_space<vmem>> -> memref<1x128x400xf32, #tpu.memory_space<vmem>>
    %dma_wait3A_13 = tpu.memref_squeeze %dma_wait3A_12 : memref<1x128x400xf32, #tpu.memory_space<vmem>> -> memref<128x400xf32, #tpu.memory_space<vmem>>
    %dma_wait3A_14 = arith.constant 0 : i32
    %dma_wait3A_15 = tpu.memref_slice %arg4[%add3A_9, %dma_wait3A_14] : memref<819200x400xf32, #tpu.memory_space<hbm>> -> memref<128x400xf32, #tpu.memory_space<hbm>>
    %dma_wait3A_16 = arith.constant 0 : i32
    %dma_wait3A_17 = tpu.memref_slice %arg4[%add3A_9, %dma_wait3A_16] : memref<819200x400xf32, #tpu.memory_space<hbm>> -> memref<128x400xf32, #tpu.memory_space<hbm>>
    %dma_wait3A_18 = arith.constant 0 : i32
    %dma_wait3A_19 = arith.constant 0 : i32
    %dma_wait3A_20 = tpu.memref_slice %arg6[%dma_wait3A, %dma_wait3A_18, %dma_wait3A_19] : memref<2x128x400xf32, #tpu.memory_space<vmem>> -> memref<1x128x400xf32, #tpu.memory_space<vmem>>
    %dma_wait3A_21 = tpu.memref_squeeze %dma_wait3A_20 : memref<1x128x400xf32, #tpu.memory_space<vmem>> -> memref<128x400xf32, #tpu.memory_space<vmem>>
    tpu.wait_dma2 semaphore(%arg8 : memref<!tpu.dma_semaphore, #tpu.memory_space<semaphore_mem>>) src(%dma_wait3A_21 : memref<128x400xf32, #tpu.memory_space<vmem>>) dst(%dma_wait3A_17 : memref<128x400xf32, #tpu.memory_space<hbm>>)
    %add3A_22 = arith.constant 25472 : i32
    %add3A_23 = arith.addi %mul3A_2, %add3A_22 : i32
    %dma_wait3A_24 = arith.constant 1 : i32
    %dma_wait3A_25 = arith.constant 0 : i32
    %dma_wait3A_26 = arith.constant 0 : i32
    %dma_wait3A_27 = tpu.memref_slice %arg6[%dma_wait3A_24, %dma_wait3A_25, %dma_wait3A_26] : memref<2x128x400xf32, #tpu.memory_space<vmem>> -> memref<1x128x400xf32, #tpu.memory_space<vmem>>
    %dma_wait3A_28 = tpu.memref_squeeze %dma_wait3A_27 : memref<1x128x400xf32, #tpu.memory_space<vmem>> -> memref<128x400xf32, #tpu.memory_space<vmem>>
    %dma_wait3A_29 = arith.constant 0 : i32
    %dma_wait3A_30 = tpu.memref_slice %arg4[%add3A_23, %dma_wait3A_29] : memref<819200x400xf32, #tpu.memory_space<hbm>> -> memref<128x400xf32, #tpu.memory_space<hbm>>
    %dma_wait3A_31 = arith.constant 0 : i32
    %dma_wait3A_32 = tpu.memref_slice %arg4[%add3A_23, %dma_wait3A_31] : memref<819200x400xf32, #tpu.memory_space<hbm>> -> memref<128x400xf32, #tpu.memory_space<hbm>>
    %dma_wait3A_33 = arith.constant 0 : i32
    %dma_wait3A_34 = arith.constant 0 : i32
    %dma_wait3A_35 = tpu.memref_slice %arg6[%dma_wait3A_24, %dma_wait3A_33, %dma_wait3A_34] : memref<2x128x400xf32, #tpu.memory_space<vmem>> -> memref<1x128x400xf32, #tpu.memory_space<vmem>>
    %dma_wait3A_36 = tpu.memref_squeeze %dma_wait3A_35 : memref<1x128x400xf32, #tpu.memory_space<vmem>> -> memref<128x400xf32, #tpu.memory_space<vmem>>
    tpu.wait_dma2 semaphore(%arg9 : memref<!tpu.dma_semaphore, #tpu.memory_space<semaphore_mem>>) src(%dma_wait3A_36 : memref<128x400xf32, #tpu.memory_space<vmem>>) dst(%dma_wait3A_32 : memref<128x400xf32, #tpu.memory_space<hbm>>)
    return
  }
}

</mosaic_0001>

<sc_bundles>
// kernel: kernel.3.cloned.1.call-start
scs
__scs_entry_jumppad:
0x0: {  	(pc) =	sbr.rel $0x88, $3  }
0x1: {  	(tag) =	ssettag $0x0;
	lr =	simm.s32 $0x1  }
0x2: {  	[smem:$0x3F9E] =	sst lr;
	_ =	strace $0xD0000000  }
0x3: {  	_ = 	snop  }
0x4: {  	_ = 	snop  }
0x5: {  	_ = 	snop  }
0x6: {  	_ = 	snop  }
0x7: {  	_ = 	snop  }
__scs_overlays_trampoline_lowered:
0x8: {  	[smem:$0x3FAD] =	sst s0  }
0x9: {  	[smem:$0x3FAE] =	sst s1  }
0xa: {  	[smem:$0x3FAF] =	sst s2  }
0xb: {  	[smem:$0x3FB0] =	sst s3  }
0xc: {  	[smem:$0x3FB1] =	sst s4  }
0xd: {  	[smem:$0x3FB2] =	sst s5  }
0xe: {  	[smem:$0x3FB3] =	sst s6  }
0xf: {  	[smem:$0x3FB4] =	sst s7  }
0x10: {  	[smem:$0x3FB5] =	sst s8  }
0x11: {  	[smem:$0x3FB6] =	sst s9;
	s0 =	simm.s32 @!p0 $0x0  }
0x12: {  	s1 =	sld [smem:$0x3F9C];
	s0 =	simm.s32 @p0 $0x1  }
0x13: {  	[smem:$0x3FB7] =	sst s0;
	s0 =	simm.s32 @!p1 $0x0  }
0x14: {  	s2 =	sld [smem:$0x3F9B];
	s0 =	simm.s32 @p1 $0x1  }
0x15: {  	[smem:$0x3FB8] =	sst s0;
	s0 =	simm.s32 @!p2 $0x0  }
0x16: {  	s3 =	sld [smem:$0x3FDB];
	s0 =	simm.s32 @p2 $0x1  }
0x17: {  	s4 =	simm.s32 $0x1BF5;
	[smem:$0x3FBA] =	sst s0  }
0x18: {  	s0 =	sld [smem:$0x3F9D];
	_ =	swait.ge [sflag:s4], $0x0  }
0x19: {  	s7 =	sld [smem:$0x3F9E]  }
0x1a: {  	s8 =	sadd.s32 $0xFFFFE003, lr  }
0x1b: {  	s9 =	sadd.s32 $0xFFFFFEF7, lr;
	s5 =	simm.s32 $0xFFFFFFFF;
	p2 =	slt.u32 s8, $0xFFFFF086  }
0x1c: {  	p1 =	slt.u32 s9, $0xF7A;
	s5 =	simm.s32 @!p2 $0x0  }
0x1d: {  	s5 =	simm.s32 @p1 $0x1;
	p0 =	seq.s32 s7, s2  }
0x1e: {  	s7 =	smul.u32 @!p0 $0xF7A, s2;
	p2 =	seq.s32 @!p0 s5, $0x0  }
0x1f: {  	s9 =	smul.u32 $0xF7A, s1;
	s8 =	simm.s32 @!p0 $0x1BF5;
	p2 =	por !p2, p0  }
0x20: {  	[sflag:s8] =	ssyncset.s32 @!p0 $0xFFFFF086;
	s6 =	sadd.s32 @!p0 s3, s7;
	s7 =	simm.s32 @!p0 $0x108  }
0x21: {  	s3 =	sadd.s32 s3, s9;
	s6 =	sadd.s32 @!p0 $0x88, s6;
	s7 =	simm.s32 @p2 $0x1082  }
0x22: {  	[simem:s7], [sflag:s8] =	dma.local @!p0 [hbm:s6], $0xF7A  }
0x23: {  	s9 =	sor.u32 $0xD0000000, s2;
	s6 =	simm.s32 $0x108;
	_ =	swait.ge @!p0 [sflag:s8], $0x0  }
0x24: {  	s3 =	sadd.s32 $0x88, s3;
	s6 =	simm.s32 @!p1 $0x1082;
	[sflag:s4] =	ssyncset.s32 $0xFFFFF086  }
0x25: {  	[simem:s6], [sflag:s4] =	dma.local [hbm:s3], $0xF7A  }
0x26: {  	[smem:$0x3F9E] =	sst s1;
	(tag) =	ssettag s2;
	_ =	strace s9  }
0x27: {  	s1 =	sld [smem:$0x3FAE]  }
0x28: {  	s2 =	sld [smem:$0x3FAF]  }
0x29: {  	s4 =	sld [smem:$0x3FB1]  }
0x2a: {  	p0 =	seq.s32 s5, $0x0;
	s5 =	sld [smem:$0x3FB2]  }
0x2b: {  	s6 =	sld [smem:$0x3FB3]  }
0x2c: {  	s7 =	sld [smem:$0x3FB4]  }
0x2d: {  	s3 =	simm.s32 $0x108;
	s8 =	sld [smem:$0x3FB5]  }
0x2e: {  	s3 =	simm.s32 @!p0 $0x1082;
	s9 =	sld [smem:$0x3FB6]  }
0x2f: {  	lr =	sadd.s32 s0, s3;
	s0 =	sld [smem:$0x3FAD]  }
0x30: {  	s3 =	sld [smem:$0x3FB0]  }
0x31: {  	[smem:$0x3FB9] =	sst s10  }
0x32: {  	s10 =	sld [smem:$0x3FB7];
	_ =	sdelay $0x3  }
0x33: {  	p0 =	seq.s32 s10, $0x1;
	s10 =	sld [smem:$0x3FB9];
	_ =	sdelay $0x3  }
0x34: {  	[smem:$0x3FB9] =	sst s10  }
0x35: {  	s10 =	sld [smem:$0x3FB8];
	_ =	sdelay $0x3  }
0x36: {  	p1 =	seq.s32 s10, $0x1;
	s10 =	sld [smem:$0x3FB9];
	_ =	sdelay $0x3  }
0x37: {  	[smem:$0x3FB9] =	sst s10  }
0x38: {  	s10 =	sld [smem:$0x3FBA]  }
0x39: {  	_ = 	snop;
	(pc) =	sbr.ind lr, $3  }
0x3a: {  	_ = 	snop  }
0x3b: {  	_ = 	snop  }
0x3c: {  	p2 =	seq.s32 s10, $0x1;
	s10 =	sld [smem:$0x3FB9]  }
0x3d: {  	_ =	shalt  }
0x3e: {  	_ =	shalt  }
0x3f: {  	_ =	shalt  }
0x40: {  	_ =	shalt  }
0x41: {  	_ =	shalt  }
0x42: {  	_ =	shalt  }
0x43: {  	_ =	shalt  }
0x44: {  	_ =	shalt  }
0x45: {  	_ =	shalt  }
0x46: {  	_ =	shalt  }
0x47: {  	_ =	shalt  }
0x48: {  	_ =	shalt  }
0x49: {  	_ =	shalt  }
0x4a: {  	_ =	shalt  }
0x4b: {  	_ =	shalt  }
0x4c: {  	_ =	shalt  }
0x4d: {  	_ =	shalt  }
0x4e: {  	_ =	shalt  }
0x4f: {  	_ =	shalt  }
0x50: {  	_ =	shalt  }
0x51: {  	_ =	shalt  }
0x52: {  	_ =	shalt  }
0x53: {  	_ =	shalt  }
0x54: {  	_ =	shalt  }
0x55: {  	_ =	shalt  }
0x56: {  	_ =	shalt  }
0x57: {  	_ =	shalt  }
0x58: {  	_ =	shalt  }
0x59: {  	_ =	shalt  }
0x5a: {  	_ =	shalt  }
0x5b: {  	_ =	shalt  }
0x5c: {  	_ =	shalt  }
0x5d: {  	_ =	shalt  }
0x5e: {  	_ =	shalt  }
0x5f: {  	_ =	shalt  }
0x60: {  	_ =	shalt  }
0x61: {  	_ =	shalt  }
0x62: {  	_ =	shalt  }
0x63: {  	_ =	shalt  }
0x64: {  	_ =	shalt  }
0x65: {  	_ =	shalt  }
0x66: {  	_ =	shalt  }
0x67: {  	_ =	shalt  }
0x68: {  	_ =	shalt  }
0x69: {  	_ =	shalt  }
0x6a: {  	_ =	shalt  }
0x6b: {  	_ =	shalt  }
0x6c: {  	_ =	shalt  }
0x6d: {  	_ =	shalt  }
0x6e: {  	_ =	shalt  }
0x6f: {  	_ =	shalt  }
0x70: {  	_ =	shalt  }
0x71: {  	_ =	shalt  }
0x72: {  	_ =	shalt  }
0x73: {  	_ =	shalt  }
0x74: {  	_ =	shalt  }
0x75: {  	_ =	shalt  }
0x76: {  	_ =	shalt  }
0x77: {  	_ =	shalt  }
0x78: {  	_ =	shalt  }
0x79: {  	_ =	shalt  }
0x7a: {  	_ =	shalt  }
0x7b: {  	_ =	shalt  }
0x7c: {  	_ =	shalt  }
0x7d: {  	_ =	shalt  }
0x7e: {  	_ =	shalt  }
0x7f: {  	_ =	shalt  }
0x80: {  	_ =	shalt  }
0x81: {  	_ =	shalt  }
0x82: {  	_ =	shalt  }
0x83: {  	_ =	shalt  }
0x84: {  	_ =	shalt  }
0x85: {  	_ =	shalt  }
0x86: {  	_ =	shalt  }
0x87: {  	_ =	shalt  }
.Lfunc_end0:
.L_simem_size_0:
called_computation.1_lowered:
.L_overlay_start_0:
0x88: {  	s2 =	sld [smem:$0x3FD9]  }
0x89: {  	s3 =	sld [smem:$0x3FFE];
	_ =	sdelay $0x1  }
0x8a: {  	s1 =	srdreg.scid  }
0x8b: {  	s0 =	sand.u32 $0x1, s1  }
0x8c: {  	s17 =	sshll.u32 s0, $0xA;
	s2 =	sadd.s32 s3, s2  }
0x8d: {  	s2 =	sadd.s32 s2, s17  }
0x8e: {  	[smem:$0x3FC5] =	sst s2  }
0x8f: {  	_ = 	snop  }
0x90: {  	s2 =	sld [smem:$0x3FD0];
	(tm) =	ssettm $0x1  }
0x91: {  	s18 =	sld [smem:$0x3FFB];
	_ =	sdelay $0x3  }
0x92: {  	_ =	strace s18  }
0x93: {  	s3 =	sld [smem:$0x3FFC];
	_ =	sdelay $0x3  }
0x94: {  	_ =	strace s3  }
0x95: {  	s3 =	sld [smem:$0x3FFD];
	_ =	sdelay $0x3  }
0x96: {  	_ =	strace s3  }
0x97: {  	_ =	strace $0x8FFFFFFF  }
0x98: {  	s19 =	sld [smem:$0x3FDB];
	_ =	sdelay $0x1  }
0x99: {  	s4 =	simm.s32 $_scs_section_size  }
0x9a: {  	s5 =	simm.s32 $_size__tile_overlayer_lowered;
	s6 =	simm.s32 $_tile_overlayer_lowered  }
0x9b: {  	s22 =	simm.s32 $0x1BFF;
	s21 =	sshll.u32 s6, $0x1;
	s3 =	sadd.s32 s4, s19  }
0x9c: {  	s7 =	simm.s32 $0x0;
	s20 =	sshll.u32 s5, $0x1;
	s5 =	sadd.s32 s21, s3  }
0x9d: {  	[timem:s7], [sflag:s22] =	dma.local [hbm:s5], s20  }
0x9e: {  	_ =	swait.ge [sflag:s22], s20  }
0x9f: {  	s4 =	ssub.s32 $0x0, s20;
	[sflag:s22] =	ssyncset.done $0x0  }
0xa0: {  	[sflag:s22] =	ssyncadd.s32 s4;
	_ =	sdelay $0x1  }
0xa1: {  	s23 =	simm.s32 $0x1B8B  }
0xa2: {  	_ =	swait.ge [sflag:s23], $0x1  }
0xa3: {  	[sflag:s23] =	ssyncset.done $0x0  }
0xa4: {  	s25 =	simm.s32 $0x1B8E;
	s24 =	sld [smem:$0x3FFE];
	[sflag:s23] =	ssyncadd.s32 $0xFFFFFFFF  }
0xa5: {  	s26 =	simm.s32 $execute0_lowered;
	[smem:$0x3FD2] =	sst s25  }
0xa6: {  	s5 =	sshll.u32 s26, $0x1;
	_ =	strace $0x80000046;
	[dreg:$0x1] =	wrdreg $0xFFFFFFFF  }
0xa7: {  	s28 =	simm.s32 $_size_execute0_lowered;
	s3 =	sadd.s32 s3, s5;
	[dreg:$0x0] =	wrdreg $0x0  }
0xa8: {  	s5 =	sshll.u32 s28, $0x1;
	[dreg:$0x2] =	wrdreg s3  }
0xa9: {  	[dreg:$0x3] =	wrdreg s5  }
0xaa: {  	[dreg:$0x4] =	wrdreg $0xC0  }
0xab: {  	_ =	task [dreg:s7], $0x5FFFF  }
0xac: {  	[dreg:$0x1] =	wrdreg $0xFFFFFFFF  }
0xad: {  	[dreg:$0x0] =	wrdreg $0x60  }
0xae: {  	[dreg:$0x2] =	wrdreg s24  }
0xaf: {  	[dreg:$0x3] =	wrdreg s2  }
0xb0: {  	[dreg:$0x4] =	wrdreg $0x9  }
0xb1: {  	_ =	task.clear_ibuf [dreg:s7], $0x5FFFF;
	_ =	strace $0x90000046  }
0xb2: {  	s29 =	simm.s32 $0x9;
	_ =	strace $0x80000048  }
0xb3: {  	_ =	swait.ge [sflag:s29], $0x1  }
0xb4: {  	[sflag:s29] =	ssyncadd.s32 $0xFFFFFFFF  }
0xb5: {  	_ =	strace $0x90000048  }
0xb6: {  	_ =	sfence  }
0xb7: {  	s30 =	sld [smem:$0x0];
	_ =	sdelay $0x2  }
0xb8: {  	s31 =	sshll.u32 s1, $0xD;
	s1 =	sshrl.u32 s1, $0x2  }
0xb9: {  	s3 =	sand.u32 $0x4000, s31;
	s1 =	sadd.s32 s1, s30  }
0xba: {  	s0 =	sor.u32 s3, s0;
	s1 =	sshll.u32 s1, $0x11  }
0xbb: {  	s0 =	sor.u32 s1, s0  }
0xbc: {  	s0 =	sadd.s32 $0x8F2B, s0  }
0xbd: {  	[sflag:s0] =	ssyncadd.remote.s32 $0x1  }
0xbe: {  	_ =	sfence.sel $0xFFFF  }
0xbf: {  	[dreg:$0x0] =	wrdreg $0xFFFFFFFF;
	(pc) =	sbr.abs _section_cstart, $3  }
0xc0: {  	[dreg:$0x1] =	wrdreg $0xFFFFFFFF  }
0xc1: {  	_ =	task.clear_ibuf [dreg:s7], $0x2FFFF;
	_ =	strace $0x9FFFFFFF  }
0xc2: {  	(tm) =	ssettm $0x7FFFFFFF  }
0xc3: {  	_ =	shalt  }
tec
execute0_lowered:
.L_overlay_start_1:
0x0: {  	(tag) =	ssettag $0x1  }
0x1: {  	s4 =	rddreg [dreg:$0x0]  }
0x2: {  	s6 =	rddreg [dreg:$0x1]  }
0x3: {  	s0 =	rddreg [dreg:$0x2]  }
0x4: {  	s3 =	srdreg.scid;
	s1 =	stileid.u32;
	s2 =	simm.s32 $0x0  }
0x5: {  	s12 =	simm.s32 $0x1;
	s13 =	simm.s32 $0x12C00;
	s14 =	simm.s32 $0x2  }
0x6: {  	s15 =	simm.s32 $0x3;
	s16 =	simm.s32 $0x0;
	s5 =	sand.u32 $0x1, s3  }
0x7: {  	s26 =	sshll.u32 s1, $0x1;
	[smem:$0x7FF] =	sst s2;
	s11 =	smul.u32 $0x271000, s1  }
0x8: {  	s3 =	sadd.s32 $0x19800, s4;
	s7 =	sor.u32 s5, s26;
	s29 =	smul.u32 $0x138800, s5  }
0x9: {  	_ =	strace $0x80000047;
	s9 =	ssub.s32 $0x2, s5;
	s8 =	smul.u32 $0x6400, s7  }
0xa: {  	s7 =	smul.u32 $0x138800, s7;
	s10 =	sshrl.u32 s9, $0x1;
	s30 =	sadd.s32 s11, s6  }
0xb: {  	s11 =	simm.s32 $0x6400;
	s28 =	ssub.s32 s9, s10;
	s31 =	sadd.s32 s29, s30  }
0xc: {  	s9 =	simm.s32 $0x4;
	s10 =	simm.s32 $0x80;
	s8 =	sshrl.u32 s8, $0x3  }
0xd: {  	s5 =	sadd.s32 s6, s7;
	s6 =	smax.u32 s28, $0x1;
	s4 =	sadd.s32 s8, s4  }
0xe: {  	s7 =	sadd.s32 $0x1900, s5;
	s8 =	sadd.s32 $0x4B00, s31;
	s4 =	sadd.s32 $0x800, s4  }
.LBB2_1:
0xf: {  	[tilespmem:s2], [sflag:$0x4] =	stream.linear.gather [hbm4b:s4+s2], $0x6400, $0x38;
	[tilespmem:$0x1F400] =	vst v63  }
0x10: {  	_ =	swait.ge [sflag:s9], $0x6400  }
0x11: {  	[sflag:s9] =	ssyncset.done $0x0  }
0x12: {  	[sflag:s9] =	ssyncadd.s32 $0xFFFF9C00  }
0x13: {  	[tilespmem:s11], [sflag:$0x1] =	stream.indirect.gather [hbm4b:s3+s10], $0x190, s2, s10, $0xb8;
	[tilespmem:$0x1F400] =	vst v63  }
0x14: {  	_ =	swait.ge [sflag:s12], $0xC800  }
0x15: {  	[sflag:s12] =	ssyncset.done $0x0  }
0x16: {  	[sflag:s12] =	ssyncadd.s32 $0xFFFF3800  }
0x17: {  	[hbm4b:s5+s2] =	stream.linear.scatter [tilespmem:s11], [sflag:$0x2], $0xC800, $0x38;
	[tilespmem:$0x1F400] =	vst v63  }
0x18: {  	_ = 	snop  }
0x19: {  	[tilespmem:s13], [sflag:$0x1] =	stream.indirect.gather [hbm4b:s3+s10], $0x190, s10, s10, $0xb8;
	[tilespmem:$0x1F400] =	vst v63  }
0x1a: {  	_ =	swait.ge [sflag:s12], $0xC800  }
0x1b: {  	[sflag:s12] =	ssyncset.done $0x0  }
0x1c: {  	[sflag:s12] =	ssyncadd.s32 $0xFFFF3800  }
0x1d: {  	[hbm4b:s7+s2] =	stream.linear.scatter [tilespmem:s13], [sflag:$0x3], $0xC800, $0x38;
	[tilespmem:$0x1F400] =	vst v63  }
0x1e: {  	_ =	swait.ge [sflag:s14], $0xC800  }
0x1f: {  	[sflag:s14] =	ssyncset.done $0x0  }
0x20: {  	s17 =	simm.s32 $0x100;
	[sflag:s14] =	ssyncadd.s32 $0xFFFF3800  }
0x21: {  	[tilespmem:s11], [sflag:$0x1] =	stream.indirect.gather [hbm4b:s3+s10], $0x190, s17, s10, $0xb8;
	[tilespmem:$0x1F400] =	vst v63  }
0x22: {  	_ =	swait.ge [sflag:s12], $0xC800  }
0x23: {  	[sflag:s12] =	ssyncset.done $0x0  }
0x24: {  	s30 =	sadd.s32 $0xFFFFE700, s8;
	[sflag:s12] =	ssyncadd.s32 $0xFFFF3800  }
0x25: {  	[hbm4b:s30+s2] =	stream.linear.scatter [tilespmem:s11], [sflag:$0x2], $0xC800, $0x38;
	[tilespmem:$0x1F400] =	vst v63  }
0x26: {  	_ =	swait.ge [sflag:s15], $0xC800  }
0x27: {  	[sflag:s15] =	ssyncset.done $0x0  }
0x28: {  	s31 =	simm.s32 $0x180;
	[sflag:s15] =	ssyncadd.s32 $0xFFFF3800  }
0x29: {  	[tilespmem:s13], [sflag:$0x1] =	stream.indirect.gather [hbm4b:s3+s10], $0x190, s31, s10, $0xb8;
	[tilespmem:$0x1F400] =	vst v63  }
0x2a: {  	_ =	swait.ge [sflag:s12], $0xC800  }
0x2b: {  	s18 =	sadd.s32 $0x3200, s8;
	[sflag:s12] =	ssyncset.done $0x0  }
0x2c: {  	s19 =	smov.u32 s8;
	s17 =	simm.s32 $0x400;
	[sflag:s12] =	ssyncadd.s32 $0xFFFF3800  }
.LBB2_2:
0x2d: {  	[hbm4b:s19+s2] =	stream.linear.scatter [tilespmem:s13], [sflag:$0x3], $0xC800, $0x38;
	[tilespmem:$0x1F400] =	vst v63  }
0x2e: {  	s20 =	smov.u32 s17;
	s19 =	smov.u32 s18  }
0x2f: {  	p0 =	sne.s32 s17, $0x18800;
	s17 =	sadd.s32 $0x400, s17;
	_ =	swait.ge [sflag:s14], $0xC800  }
0x30: {  	s20 =	sshra.s32 s20, $0x2;
	[sflag:s14] =	ssyncset.done $0x0  }
0x31: {  	s21 =	sadd.s32 $0x100, s20;
	[sflag:s14] =	ssyncadd.s32 $0xFFFF3800  }
0x32: {  	[tilespmem:s11], [sflag:$0x1] =	stream.indirect.gather [hbm4b:s3+s10], $0x190, s21, s10, $0xb8;
	[tilespmem:$0x1F400] =	vst v63  }
0x33: {  	_ =	swait.ge [sflag:s12], $0xC800  }
0x34: {  	[sflag:s12] =	ssyncset.done $0x0  }
0x35: {  	s21 =	sadd.s32 $0xFFFFE700, s18;
	[sflag:s12] =	ssyncadd.s32 $0xFFFF3800  }
0x36: {  	[hbm4b:s21+s2] =	stream.linear.scatter [tilespmem:s11], [sflag:$0x2], $0xC800, $0x38;
	[tilespmem:$0x1F400] =	vst v63  }
0x37: {  	_ =	swait.ge [sflag:s15], $0xC800  }
0x38: {  	[sflag:s15] =	ssyncset.done $0x0  }
.Ltmp0:
0x39: {  	s20 =	sadd.s32 $0x180, s20;
	[sflag:s15] =	ssyncadd.s32 $0xFFFF3800;
	(pc) =	sbr.rel @p0 .LBB2_2-.Ltmp0, $4  }
0x3a: {  	[tilespmem:s13], [sflag:$0x1] =	stream.indirect.gather [hbm4b:s3+s10], $0x190, s20, s10, $0xb8;
	[tilespmem:$0x1F400] =	vst v63  }
0x3b: {  	_ =	swait.ge [sflag:s12], $0xC800  }
0x3c: {  	[sflag:s12] =	ssyncset.done $0x0  }
0x3d: {  	s18 =	sadd.s32 $0x3200, s18;
	[sflag:s12] =	ssyncadd.s32 $0xFFFF3800  }
0x3e: {  	[hbm4b:s19+s2] =	stream.linear.scatter [tilespmem:s13], [sflag:$0x3], $0xC800, $0x38;
	[tilespmem:$0x1F400] =	vst v63  }
0x3f: {  	s16 =	sadd.s32 $0x1, s16  }
0x40: {  	_ =	swait.ge [sflag:s14], $0xC800;
	p0 =	sne.s32 s16, s6  }
.Ltmp1:
0x41: {  	[sflag:s14] =	ssyncset.done $0x0;
	(pc) =	sbr.rel @p0 .LBB2_1-.Ltmp1, $4  }
0x42: {  	[sflag:s14] =	ssyncadd.s32 $0xFFFF3800  }
0x43: {  	_ =	swait.ge [sflag:s15], $0xC800  }
0x44: {  	[sflag:s15] =	ssyncset.done $0x0  }
0x45: {  	[sflag:s15] =	ssyncadd.s32 $0xFFFF3800  }
0x46: {  	_ =	sfence.sel $0x180000  }
0x47: {  	[bflag:$0x0] =	sbarrier.arrive $0xFFFF  }
0x48: {  	p0 =	sne.s32 s1, $0x0;
	_ =	strace $0x90000047  }
0x49: {  	s0 =	sadd.s32 @!p0 $0x100000, s0;
	[bflag:$0x2] =	sbarrier.arrive $0xFFFF  }
0x4a: {  	[sflag:s0] =	ssyncadd.tile.s32 @!p0 $0x1;
	_ =	shalt  }
.Lfunc_end2:
_tile_overlayer_lowered:
.L_overlay_start_2:
0x4b: {  	(tag) =	ssettag $0x2  }
0x4c: {  	s0 =	rddreg [dreg:$0x0];
	s2 =	stileid.u32  }
0x4d: {  	s1 =	rddreg [dreg:$0x1];
	p0 =	sne.s32 s2, $0x0  }
0x4e: {  	s3 =	rddreg [dreg:$0x2];
	[bflag:$0x3] =	sbarrier.arrive $0xFFFF;
	s2 =	simm.s32 @!p0 $0x1C04  }
0x4f: {  	[timem:s3], [sflag:s2] =	dma.local @!p0 [hbm:s0], s1  }
0x50: {  	s0 =	simm.s32 @!p0 $0x4  }
0x51: {  	_ =	swait.ge @!p0 [sflag:s0], s1  }
0x52: {  	s1 =	ssub.s32 @!p0 $0x0, s1;
	[sflag:s0] =	ssyncset.done @!p0 $0x0  }
0x53: {  	[sflag:s0] =	ssyncadd.s32 @!p0 s1  }
0x54: {  	[bflag:$0x3] =	sbarrier.arrive $0xFFFF  }
0x55: {  	_ =	shalt  }

// kernel: sparse-core-data-format-call.cloned.1.call-start
scs
called_computation_lowered:
.L_overlay_start_0:
0x0: {  	s2 =	sld [smem:$0x3FD9]  }
0x1: {  	s3 =	sld [smem:$0x3FFE];
	_ =	sdelay $0x1  }
0x2: {  	s1 =	srdreg.scid  }
0x3: {  	s0 =	sand.u32 $0x1, s1  }
0x4: {  	s18 =	sshll.u32 s0, $0xA;
	s2 =	sadd.s32 s3, s2  }
0x5: {  	s2 =	sadd.s32 s2, s18  }
0x6: {  	[smem:$0x3FC5] =	sst s2  }
0x7: {  	_ = 	snop  }
0x8: {  	s2 =	sld [smem:$0x3FD0];
	(tm) =	ssettm $0x1  }
0x9: {  	s19 =	sld [smem:$0x3FFB];
	_ =	sdelay $0x3  }
0xa: {  	_ =	strace s19  }
0xb: {  	s3 =	sld [smem:$0x3FFC];
	_ =	sdelay $0x3  }
0xc: {  	_ =	strace s3  }
0xd: {  	s3 =	sld [smem:$0x3FFD];
	_ =	sdelay $0x3  }
0xe: {  	_ =	strace s3  }
0xf: {  	_ =	strace $0x8FFFFFFF  }
0x10: {  	s20 =	sld [smem:$0x3FDB];
	_ =	sdelay $0x1  }
0x11: {  	s4 =	simm.s32 $_scs_section_size  }
0x12: {  	s5 =	simm.s32 $_size__tile_overlayer_lowered;
	s6 =	simm.s32 $_tile_overlayer_lowered  }
0x13: {  	s23 =	simm.s32 $0x1BFF;
	s22 =	sshll.u32 s6, $0x1;
	s3 =	sadd.s32 s4, s20  }
0x14: {  	s7 =	simm.s32 $0x0;
	s21 =	sshll.u32 s5, $0x1;
	s5 =	sadd.s32 s22, s3  }
0x15: {  	[timem:s7], [sflag:s23] =	dma.local [hbm:s5], s21  }
0x16: {  	_ =	swait.ge [sflag:s23], s21  }
0x17: {  	s4 =	ssub.s32 $0x0, s21;
	[sflag:s23] =	ssyncset.done $0x0  }
0x18: {  	[sflag:s23] =	ssyncadd.s32 s4;
	_ =	sdelay $0x1  }
0x19: {  	s24 =	simm.s32 $0x1B8B  }
0x1a: {  	_ =	swait.ge [sflag:s24], $0x1  }
0x1b: {  	[sflag:s24] =	ssyncset.done $0x0  }
0x1c: {  	s26 =	simm.s32 $0x1B8E;
	s25 =	sld [smem:$0x3FFE];
	[sflag:s24] =	ssyncadd.s32 $0xFFFFFFFF  }
0x1d: {  	s27 =	simm.s32 $execute0_lowered;
	[smem:$0x3FD2] =	sst s26  }
0x1e: {  	s5 =	sshll.u32 s27, $0x1;
	_ =	strace $0x80000049;
	[dreg:$0x1] =	wrdreg $0xFFFFFFFF  }
0x1f: {  	s28 =	simm.s32 $_size_execute0_lowered;
	s3 =	sadd.s32 s3, s5;
	[dreg:$0x0] =	wrdreg $0x0  }
0x20: {  	s5 =	sshll.u32 s28, $0x1;
	[dreg:$0x2] =	wrdreg s3  }
0x21: {  	[dreg:$0x3] =	wrdreg s5  }
0x22: {  	[dreg:$0x4] =	wrdreg $0xC0  }
0x23: {  	_ =	task [dreg:s7], $0x5FFFF  }
0x24: {  	[dreg:$0x1] =	wrdreg $0xFFFFFFFF  }
0x25: {  	[dreg:$0x0] =	wrdreg $0x60  }
0x26: {  	[dreg:$0x2] =	wrdreg s25  }
0x27: {  	[dreg:$0x3] =	wrdreg s2  }
0x28: {  	[dreg:$0x4] =	wrdreg $0x9  }
0x29: {  	_ =	task.clear_ibuf [dreg:s7], $0x5FFFF;
	_ =	strace $0x90000049  }
0x2a: {  	s29 =	simm.s32 $0x9;
	_ =	strace $0x8000004B  }
0x2b: {  	_ =	swait.ge [sflag:s29], $0x1  }
0x2c: {  	[sflag:s29] =	ssyncadd.s32 $0xFFFFFFFF  }
0x2d: {  	_ =	strace $0x9000004B  }
0x2e: {  	_ =	sfence  }
0x2f: {  	s30 =	sld [smem:$0x0];
	_ =	sdelay $0x2  }
0x30: {  	s31 =	sshll.u32 s1, $0xD;
	s1 =	sshrl.u32 s1, $0x2  }
0x31: {  	s3 =	sand.u32 $0x4000, s31;
	s1 =	sadd.s32 s1, s30  }
0x32: {  	s0 =	sor.u32 s3, s0;
	s1 =	sshll.u32 s1, $0x11  }
0x33: {  	s0 =	sor.u32 s1, s0  }
0x34: {  	s0 =	sadd.s32 $0x8F2B, s0  }
0x35: {  	[sflag:s0] =	ssyncadd.remote.s32 $0x1  }
0x36: {  	_ =	sfence.sel $0xFFFF  }
0x37: {  	[dreg:$0x0] =	wrdreg $0xFFFFFFFF;
	(pc) =	sbr.abs _section_cstart, $3  }
0x38: {  	[dreg:$0x1] =	wrdreg $0xFFFFFFFF  }
0x39: {  	_ =	task.clear_ibuf [dreg:s7], $0x2FFFF;
	_ =	strace $0x9FFFFFFF  }
0x3a: {  	(tm) =	ssettm $0x7FFFFFFF  }
0x3b: {  	_ =	shalt  }
tec
execute0_lowered:
.L_overlay_start_1:
0x0: {  	(tag) =	ssettag $0x1  }
0x1: {  	s0 =	srdreg.scid;
	s6 =	rddreg [dreg:$0x0]  }
0x2: {  	s3 =	rddreg [dreg:$0x1];
	s1 =	sshll.u32 s0, $0x4  }
0x3: {  	s5 =	simm.s32 $0x1;
	s0 =	stileid.u32;
	s1 =	sand.u32 $0x10, s1  }
0x4: {  	s31 =	simm.s32 $0x2;
	s16 =	simm.s32 $0x0;
	s1 =	sor.u32 s0, s1  }
0x5: {  	s8 =	simm.s32 $0x20000;
	s18 =	simm.s32 $0x0;
	s2 =	sshll.u32 s1, $0x7  }
0x6: {  	s17 =	simm.s32 $0x0;
	s9 =	simm.s32 $0x0;
	s4 =	ssub.s32 $0x4000, s2  }
0x7: {  	s10 =	simm.s32 $0x0;
	s11 =	simm.s32 $0x0;
	s30 =	sand.u32 $0xF80, s4  }
0x8: {  	s12 =	simm.s32 $0x0;
	s13 =	simm.s32 $0x0;
	p0 =	sne.s32 s30, $0x0  }
.Ltmp0:
0x9: {  	s7 =	sshrl.u32 s4, $0xC;
	s5 =	simm.s32 @!p0 $0x0;
	(pc) =	sbr.rel .LBB1_1-.Ltmp0, $4  }
0xa: {  	s15 =	simm.s32 $0x0;
	s1 =	rddreg [dreg:$0x2];
	s5 =	sadd.s32 s5, s7  }
0xb: {  	_ =	strace $0x8000004A;
	s4 =	simm.s32 $0x1;
	s5 =	smul.u32 $0xC8, s5  }
0xc: {  	s6 =	sadd.s32 $0x800, s6;
	s14 =	smov.u32 s2;
	[sflag:s4] =	ssyncpa.u1 $0x0  }
0xd: {  	[sflag:s31] =	ssyncpa.u1 $0x0;
	p0 =	por $0x0, $0x0;
	s7 =	sor.u32 $0x1, s5  }
.LBB1_4:
0xe: {  	s23 =	sshra.s32 s23, $0x2;
	s30 =	sshll.u32 s9, $0xE  }
0xf: {  	p1 =	sgt.s32 s10, $0x31;
	s24 =	smov.u32 s10;
	s25 =	sshra.s32 s10, $0x1F  }
0x10: {  	s26 =	sshll.u32 s11, $0x3;
	s28 =	smov.u32 s11;
	s29 =	sshra.s32 s11, $0x1F  }
0x11: {  	s22 =	sadd.s32 s23, s22;
	s24 =	simm.s32 @!p1 $0x31;
	s25 =	sand.u32 s25, s10  }
0x12: {  	s23 =	sand.u32 $0xFFFE0000, s30;
	s27 =	sand.u32 $0xFFFFFC00, s26;
	p1 =	sgt.s32 s9, $0x110  }
0x13: {  	s31 =	sand.u32 s29, s11;
	s29 =	sshll.u32 s9, $0x7;
	s30 =	sshra.s32 s9, $0x1F  }
0x14: {  	[tilespmem:s21+$0x2040 ss:$0x81] =	vst.msk $0xffff, v4;
	s24 =	ssub.s32 s24, s25;
	s23 =	sadd.s32 s27, s23;
	s27 =	smov.u32 s9  }
0x15: {  	[tilespmem:s21+$0x2850 ss:$0x81] =	vst.msk $0xffff, v3;
	s29 =	sand.u32 $0x380, s29;
	s25 =	sadd.s32 $0xFFFFFFCF, s24;
	s27 =	simm.s32 @!p1 $0x110  }
0x16: {  	v5 =	vld [tilespmem:s20+$0xFFFFFFD0];
	[tilespmem:s21+$0x3060 ss:$0x81] =	vst.msk $0xffff, v2;
	p1 =	sgt.s32 s11, $0x3F80;
	s23 =	sshrl.u32 s23, $0xE;
	s24 =	ssub.s32 $0x32, s24  }
0x17: {  	v58 =	vld [tilespmem:s20+$0xFFFFFFE0];
	[tilespmem:s21+$0x0 ss:$0x81] =	vst.msk $0xffff, v1;
	s28 =	simm.s32 @!p1 $0x3F80;
	p1 =	sgt.s32 s25, $0x0;
	s21 =	smulhi.u32 $0xA3D70B, s23  }
0x18: {  	v59 =	vld [tilespmem:s20+$0xFFFFFFF0];
	s25 =	ssub.s32 s28, s31;
	s28 =	sand.u32 s30, s9;
	s24 =	simm.s32 @p1 $0x0  }
0x19: {  	v60 =	vld [tilespmem:s20+$0x0];
	s27 =	ssub.s32 s27, s28;
	s31 =	sadd.s32 $0xFFFFC080, s25;
	s25 =	ssub.s32 $0x4000, s25  }
0x1a: {  	v61 =	vld [tilespmem:s20+$0x10];
	[tilespmem:s22+$0x3870 ss:$0x81] =	vst.msk $0xffff, v0;
	s21 =	smul.u32 $0x190, s21;
	s28 =	sand.u32 $0x7, s11;
	p1 =	sgt.s32 s31, $0x7F  }
0x1b: {  	v62 =	vld [tilespmem:s20+$0x20];
	[tilespmem:s22+$0x810 ss:$0x81] =	vst.msk $0xffff, v5;
	s30 =	sadd.s32 $0xFFFFFEF0, s27;
	s31 =	sand.u32 $0x78, s11;
	s25 =	simm.s32 @p1 $0x0  }
0x1c: {  	v63 =	vld [tilespmem:s20+$0xFFFFFFC0];
	[tilespmem:s22+$0x1020 ss:$0x81] =	vst.msk $0xffff, v58;
	p1 =	sgt.s32 s30, $0x7F;
	s30 =	sand.u32 $0x3C00, s26;
	s24 =	smul.u32 s25, s24  }
0x1d: {  	[tilespmem:s22+$0x1830 ss:$0x81] =	vst.msk $0xffff, v59;
	s26 =	ssub.s32 $0x190, s27;
	s20 =	sor.u32 s31, s30;
	s31 =	smul.u32 $0xC8000, s10  }
0x1e: {  	[tilespmem:s22+$0x2040 ss:$0x81] =	vst.msk $0xffff, v60;
	s21 =	ssub.s32 s23, s21;
	s26 =	simm.s32 @p1 $0x0;
	s20 =	sor.u32 s29, s20  }
0x1f: {  	[tilespmem:s22+$0x2850 ss:$0x81] =	vst.msk $0xffff, v61;
	s26 =	smul.u32 s26, s24;
	s20 =	sshrl.u32 s20, $0x3;
	s27 =	sadd.s32 s3, s31  }
0x20: {  	[tilespmem:s22+$0x3060 ss:$0x81] =	vst.msk $0xffff, v62;
	s21 =	sshll.u32 s21, $0xB;
	s29 =	sshll.u32 s28, $0x12;
	s20 =	sadd.s32 s20, s27  }
0x21: {  	[tilespmem:s22+$0x0 ss:$0x81] =	vst.msk $0xffff, v63;
	s31 =	sor.u32 $0x400, s29;
	s30 =	sand.u32 $0x3FFFFFFF, s26;
	s20 =	sadd.s32 s21, s20  }
0x22: {  	[hbm4b:s20+s31] =	stream.strided.scatter [tilespmem:s19], [sflag:$0x2], s30, s8, s31, $0x20;
	[tilespmem:$0x10100] =	vst v63  }
.LBB1_5:
0x23: {  	p1 =	slt.u32 s15, $0x2  }
0x24: {  	p2 =	sgt.s32 @!p1 s18, $0x31  }
0x25: {  	s19 =	smov.u32 s18;
	s20 =	sshra.s32 @!p1 s18, $0x1F;
	p2 =	por !p2, p1  }
0x26: {  	s18 =	sand.u32 @!p1 s20, s18;
	s19 =	simm.s32 @p2 $0x31  }
0x27: {  	p3 =	sgt.s32 @!p1 s16, $0x110;
	s18 =	ssub.s32 @!p1 s19, s18  }
0x28: {  	p4 =	sgt.s32 @!p1 s17, $0x3F80;
	s21 =	sshra.s32 @!p1 s17, $0x1F;
	s19 =	sadd.s32 @!p1 $0xFFFFFFCF, s18  }
0x29: {  	s20 =	smov.u32 s16;
	p2 =	sgt.s32 @!p1 s19, $0x0;
	s19 =	sshra.s32 @!p1 s16, $0x1F  }
0x2a: {  	p4 =	por !p4, p1;
	s16 =	sand.u32 @!p1 s19, s16;
	s19 =	smov.u32 s17  }
0x2b: {  	p3 =	por !p3, p1;
	s17 =	sand.u32 @!p1 s21, s17;
	s19 =	simm.s32 @p4 $0x3F80  }
0x2c: {  	s20 =	simm.s32 @p3 $0x110;
	s18 =	ssub.s32 @!p1 $0x32, s18;
	s17 =	ssub.s32 @!p1 s19, s17  }
0x2d: {  	p2 =	por !p2, p1;
	s16 =	ssub.s32 @!p1 s20, s16;
	s20 =	sadd.s32 @!p1 $0xFFFFC080, s17  }
0x2e: {  	s18 =	simm.s32 @!p2 $0x0;
	p3 =	sgt.s32 @!p1 s20, $0x7F  }
0x2f: {  	s19 =	sadd.s32 @!p1 $0xFFFFFEF0, s16;
	s17 =	ssub.s32 @!p1 $0x4000, s17;
	p3 =	por !p3, p1  }
0x30: {  	p2 =	sgt.s32 @!p1 s19, $0x7F;
	s19 =	sadd.s32 $0x80, s12;
	s17 =	simm.s32 @!p3 $0x0  }
0x31: {  	p3 =	sgt.s32 s19, $0x18F;
	s17 =	smul.u32 @!p1 s17, s18;
	s18 =	simm.s32 $0x1  }
0x32: {  	s16 =	ssub.s32 @!p1 $0x190, s16;
	p2 =	por !p2, p1;
	s18 =	simm.s32 @!p3 $0x0  }
0x33: {  	s21 =	smov.u32 s14;
	s16 =	simm.s32 @!p2 $0x0;
	s20 =	sadd.s32 s18, s13  }
0x34: {  	s16 =	smul.u32 @!p1 s16, s17;
	s17 =	sadd.s32 $0x1000, s14;
	p2 =	sgt.s32 s20, $0x31  }
0x35: {  	p0 =	por !p0, !p0;
	s22 =	simm.s32 @!p1 $0x2;
	s21 =	smov.u32 @p2 s17  }
0x36: {  	s19 =	simm.s32 @p3 $0x0;
	s20 =	simm.s32 @p2 $0x0;
	p2 =	sgt.s32 s21, $0x3FFF  }
0x37: {  	s18 =	smov.u32 s10;
	s21 =	smov.u32 @p2 s2;
	p2 =	sne.s32 s15, s7  }
.Ltmp1:
0x38: {  	s10 =	smov.u32 s13;
	s16 =	sand.u32 @!p1 $0x3FFFFFFF, s16;
	(pc) =	sbr.rel @!p2 .LBB1_6-.Ltmp1, $4  }
0x39: {  	s17 =	smov.u32 s11;
	s11 =	smov.u32 s14;
	_ =	swait.ge @!p1 [sflag:s22], s16  }
0x3a: {  	s23 =	ssub.s32 @!p1 $0x0, s16;
	s16 =	smov.u32 s9;
	s9 =	smov.u32 s12  }
0x3b: {  	s12 =	smov.u32 s19;
	s13 =	smov.u32 s20;
	[sflag:s22] =	ssyncset.done @!p1 $0x0  }
0x3c: {  	s15 =	sadd.s32 $0x1, s15;
	[sflag:s22] =	ssyncadd.s32 @!p1 s23;
	s14 =	smov.u32 s21  }
.LBB1_1:
0x3d: {  	p1 =	sge.u32 s15, s5  }
0x3e: {  	s19 =	sshll.u32 @!p1 s13, $0x9;
	s20 =	sshll.u32 @!p1 s12, $0x3  }
0x3f: {  	s21 =	sshll.u32 @!p1 s13, $0x7;
	s19 =	sand.u32 @!p1 $0xFFFFF000, s19;
	s20 =	sand.u32 @!p1 $0xFFFFFC00, s20  }
0x40: {  	s19 =	sadd.s32 @!p1 s19, s20;
	s20 =	sand.u32 @!p1 $0x200, s21  }
0x41: {  	s19 =	sor.u32 @!p1 s20, s19  }
0x42: {  	s19 =	sshrl.u32 @!p1 s19, $0x9  }
0x43: {  	s31 =	sadd.s32 $0xFFFFFFFF, s15;
	s20 =	smulhi.u32 @!p1 $0x4924925, s19  }
0x44: {  	s22 =	sxor.u32 @!p1 $0xFFFFFFFF, s15;
	s23 =	sand.u32 @!p1 $0x78, s12;
	s24 =	smul.u32 @!p1 $0xE00, s14  }
0x45: {  	s22 =	sshll.u32 @!p1 s22, $0xE;
	s21 =	sand.u32 @!p1 $0x180, s21;
	s20 =	smul.u32 @!p1 $0x38, s20  }
0x46: {  	s22 =	sand.u32 @!p1 $0x4000, s22;
	s21 =	sor.u32 @!p1 s23, s21;
	s23 =	sand.u32 @!p1 $0x7, s12  }
0x47: {  	s19 =	ssub.s32 @!p1 s19, s20;
	s20 =	sshrl.u32 @!p1 s21, $0x3;
	s21 =	sadd.s32 @!p1 s6, s24  }
0x48: {  	s19 =	sshll.u32 @!p1 s19, $0x6;
	s20 =	sadd.s32 @!p1 s20, s21;
	s21 =	sshll.u32 @!p1 s23, $0x12  }
0x49: {  	s19 =	sadd.s32 @!p1 s19, s20;
	s20 =	sor.u32 @!p1 $0x80, s21;
	s21 =	simm.s32 @!p1 $0x7000  }
0x4a: {  	[tilespmem:s22], [sflag:$0x1] =	stream.strided.gather @!p1 [hbm4b:s19+s20], $0x4000, s21, s20, $0x38;
	[tilespmem:$0x10100] =	vst v63  }
0x4b: {  	p1 =	sge.u32 s31, s5  }
.Ltmp2:
0x4c: {  	_ = 	snop;
	(pc) =	sbr.rel @p1 .LBB1_5-.Ltmp2, $1  }
0x4d: {  	_ =	sdelay $0x3  }
0x4e: {  	s19 =	simm.s32 $0x1  }
0x4f: {  	_ =	swait.ge [sflag:s4], $0x4000;
	s19 =	simm.s32 @!p0 $0x0  }
0x50: {  	[sflag:s4] =	ssyncset.done $0x0;
	s20 =	sshll.u32 s19, $0xE  }
0x51: {  	[sflag:s4] =	ssyncadd.s32 $0xFFFFC000;
	s20 =	sor.u32 $0x40, s20  }
0x52: {  	s19 =	smul.u32 $0x10200, s19;
	v0 =	vld [tilespmem:s20+$0x30]  }
0x53: {  	v1 =	vld [tilespmem:s20+$0xFFFFFFD0]  }
0x54: {  	s19 =	sshrl.u32 s19, $0x2;
	v5 =	vld [tilespmem:s20+$0xFFFFFFE0]  }
0x55: {  	v6 =	vld [tilespmem:s20+$0xFFFFFFF0];
	s22 =	sor.u32 $0x8000, s19  }
0x56: {  	s31 =	sand.u32 $0x1, s15;
	v4 =	vld [tilespmem:s20+$0x0];
	s21 =	sadd.s32 $0x0, s22  }
0x57: {  	v3 =	vld [tilespmem:s20+$0x10];
	s19 =	smul.u32 $0x10200, s31;
	[tilespmem:s21+$0x3870 ss:$0x81] =	vst.msk $0xffff, v0  }
0x58: {  	v2 =	vld [tilespmem:s20+$0x20];
	[tilespmem:s21+$0x810 ss:$0x81] =	vst.msk $0xffff, v1  }
0x59: {  	s19 =	sshrl.u32 s19, $0x2;
	v1 =	vld [tilespmem:s20+$0xFFFFFFC0];
	[tilespmem:s21+$0x1020 ss:$0x81] =	vst.msk $0xffff, v5;
	s20 =	sadd.s32 $0x80, s20  }
0x5a: {  	s23 =	simm.s32 $0x4;
	s24 =	simm.s32 $0x8;
	s19 =	sor.u32 $0x8000, s19;
	[tilespmem:s21+$0x1830 ss:$0x81] =	vst.msk $0xffff, v6;
	v0 =	vld [tilespmem:s20+$0x30]  }
.LBB1_3:
0x5b: {  	p1 =	sne.s32 s24, $0x1FC;
	v5 =	vld [tilespmem:s20+$0xFFFFFFD0];
	[tilespmem:s21+$0x2040 ss:$0x81] =	vst.msk $0xffff, v4  }
0x5c: {  	v6 =	vld [tilespmem:s20+$0xFFFFFFE0];
	[tilespmem:s21+$0x2850 ss:$0x81] =	vst.msk $0xffff, v3  }
0x5d: {  	s25 =	sshra.s32 s23, $0x2;
	s23 =	smov.u32 s24;
	v7 =	vld [tilespmem:s20+$0xFFFFFFF0];
	[tilespmem:s21+$0x3060 ss:$0x81] =	vst.msk $0xffff, v2  }
.Ltmp3:
0x5e: {  	v4 =	vld [tilespmem:s20+$0x0];
	[tilespmem:s21+$0x0 ss:$0x81] =	vst.msk $0xffff, v1;
	s21 =	sadd.s32 s25, s22;
	(pc) =	sbr.rel @p1 .LBB1_3-.Ltmp3, $4  }
0x5f: {  	v3 =	vld [tilespmem:s20+$0x10];
	[tilespmem:s21+$0x3870 ss:$0x81] =	vst.msk $0xffff, v0  }
0x60: {  	[tilespmem:s21+$0x810 ss:$0x81] =	vst.msk $0xffff, v5;
	v2 =	vld [tilespmem:s20+$0x20]  }
0x61: {  	v1 =	vld [tilespmem:s20+$0xFFFFFFC0];
	[tilespmem:s21+$0x1020 ss:$0x81] =	vst.msk $0xffff, v6;
	s20 =	sadd.s32 $0x80, s20  }
0x62: {  	s24 =	sadd.s32 $0x4, s24;
	v0 =	vld [tilespmem:s20+$0x30];
	[tilespmem:s21+$0x1830 ss:$0x81] =	vst.msk $0xffff, v7  }
.Ltmp4:
0x63: {  	_ = 	snop;
	(pc) =	sbr.rel .LBB1_4-.Ltmp4, $1  }
0x64: {  	_ =	sdelay $0x3  }
.LBB1_6:
0x65: {  	_ =	sfence.sel $0x180000  }
0x66: {  	s2 =	simm.s32 $0x1;
	[bflag:$0x0] =	sbarrier.arrive $0xFFFF  }
0x67: {  	s31 =	simm.s32 $0x2;
	[sflag:s2] =	ssyncpa.u1 $0x1  }
0x68: {  	[sflag:s31] =	ssyncpa.u1 $0x1  }
0x69: {  	p0 =	sne.s32 s0, $0x0;
	_ =	strace $0x9000004A  }
0x6a: {  	s0 =	sadd.s32 @!p0 $0x100000, s1;
	[bflag:$0x2] =	sbarrier.arrive $0xFFFF  }
0x6b: {  	[sflag:s0] =	ssyncadd.tile.s32 @!p0 $0x1;
	_ =	shalt  }
.Lfunc_end1:
_tile_overlayer_lowered:
.L_overlay_start_2:
0x6c: {  	(tag) =	ssettag $0x2  }
0x6d: {  	s0 =	rddreg [dreg:$0x0];
	s2 =	stileid.u32  }
0x6e: {  	s1 =	rddreg [dreg:$0x1];
	p0 =	sne.s32 s2, $0x0  }
0x6f: {  	s3 =	rddreg [dreg:$0x2];
	[bflag:$0x3] =	sbarrier.arrive $0xFFFF;
	s2 =	simm.s32 @!p0 $0x1C01  }
0x70: {  	[timem:s3], [sflag:s2] =	dma.local @!p0 [hbm:s0], s1  }
0x71: {  	s0 =	simm.s32 @!p0 $0x1  }
0x72: {  	_ =	swait.ge @!p0 [sflag:s0], s1  }
0x73: {  	s1 =	ssub.s32 @!p0 $0x0, s1;
	[sflag:s0] =	ssyncset.done @!p0 $0x0  }
0x74: {  	[sflag:s0] =	ssyncadd.s32 @!p0 s1  }
0x75: {  	[bflag:$0x3] =	sbarrier.arrive $0xFFFF  }
0x76: {  	_ =	shalt  }

</sc_bundles>
